<compile_context>
chip_gen: v7x
topology: tpu7x:2x2x1
jax: 0.10.2.dev20260603
libtpu: 0.0.44.dev20260713+nightly
codegen_flags: <defaults>
</compile_context>

<pallas_src>
import functools

import jax
import jax.numpy as jnp
from jax import lax
from jax.experimental import pallas as pl
from jax.experimental.pallas import tpu as pltpu
from jax.experimental.pallas import tpu_sc as plsc

_VOCAB = 100000
_EMB = 32
_WIN = 20
_BATCH = 1024
_AUG = _EMB + 1

_NC = 2
_NS = 16
_NW = _NC * _NS


def _make_pooling_kernel():
    mesh = plsc.VectorSubcoreMesh(
        core_axis_name="c", subcore_axis_name="s",
        num_cores=_NC, num_subcores=_NS,
    )

    @functools.partial(
        pl.kernel,
        mesh=mesh,
        compiler_params=pltpu.CompilerParams(needs_layout_passes=False),
        out_type=jax.ShapeDtypeStruct((_EMB, _BATCH), jnp.float32),
        scratch_types=[
            pltpu.VMEM((_VOCAB,), jnp.float32),
            pltpu.VMEM((_WIN, _BATCH), jnp.int32),
            pltpu.VMEM((_BATCH,), jnp.float32),
            pltpu.SemaphoreType.DMA,
            pltpu.SemaphoreType.DMA,
        ],
    )
    def pooling(ctx_hbm, tablet_hbm, pooled_hbm, trow_v, idx_v, acc_v, s1, s2):
        wid = lax.axis_index("s") * _NC + lax.axis_index("c")
        cp1 = pltpu.async_copy(tablet_hbm.at[wid], trow_v, s1)
        cp2 = pltpu.async_copy(ctx_hbm, idx_v, s2)
        cp1.wait()
        cp2.wait()

        inv = jnp.float32(1.0 / _WIN)

        def chunk(ic, carry):
            base = ic * 16
            acc = plsc.load_gather(trow_v, [idx_v[0, pl.ds(base, 16)]])
            for w in range(1, _WIN):
                acc = acc + plsc.load_gather(trow_v, [idx_v[w, pl.ds(base, 16)]])
            acc_v[pl.ds(base, 16)] = acc * inv
            return carry

        lax.fori_loop(0, _BATCH // 16, chunk, 0)
        pltpu.sync_copy(acc_v, pooled_hbm.at[wid])

    return pooling


@functools.lru_cache(maxsize=1)
def _get_pooling():
    return _make_pooling_kernel()


_TV = 2048


def _proj_body(wt_ref, pooled_ref, b_ref, out_ref):
    acc = lax.dot_general(
        wt_ref[...], pooled_ref[...],
        dimension_numbers=(((0,), (0,)), ((), ())),
        preferred_element_type=jnp.float32,
    )
    ones_row = jnp.ones((1, _BATCH), jnp.float32)
    bias = lax.dot_general(
        b_ref[...], ones_row,
        dimension_numbers=(((0,), (0,)), ((), ())),
        preferred_element_type=jnp.float32,
    )
    out_ref[...] = acc + bias


def _project_t(wt, pooled_t, b2d):
    return pl.pallas_call(
        _proj_body,
        grid=(pl.cdiv(_VOCAB, _TV),),
        in_specs=[
            pl.BlockSpec((_EMB, _TV), lambda j: (0, j)),
            pl.BlockSpec((_EMB, _BATCH), lambda j: (0, 0)),
            pl.BlockSpec((1, _TV), lambda j: (0, j)),
        ],
        out_specs=pl.BlockSpec((_TV, _BATCH), lambda j: (j, 0)),
        out_shape=jax.ShapeDtypeStruct((_VOCAB, _BATCH), jnp.float32),
    )(wt, pooled_t, b2d)


def kernel(context, emb_table, W, b):
    ctx_t = context.T.astype(jnp.int32)
    table_t = emb_table.T
    pooled_t = _get_pooling()(ctx_t, table_t)
    out_t = _project_t(W.T, pooled_t, b.reshape(1, _VOCAB))
    return out_t.T

# --- scband reference (transcript-rebuilt; emitter-appended) ---
"""Pipeline reference for scband-cbow-2018634629621 (READ-ONLY COPY).

The authoritative reference and input builder live on the scoring server;
editing this copy changes nothing except your own understanding.
"""

import jax, jax.numpy as jnp
import numpy as np

VOCAB = 100000
EMB = 32
WIN = 20
BATCH = 1024

def setup_inputs(seed: int = 0) -> dict:
    key = jax.random.key(seed)
    k1, k2, k3, k4 = jax.random.split(key, 4)
    context = jax.random.randint(k1, (BATCH, WIN), 0, VOCAB, dtype=jnp.int64 if jax.config.jax_enable_x64 else jnp.int32)
    emb_table = jax.random.normal(k2, (VOCAB, EMB), dtype=jnp.float32)
    W = jax.random.normal(k3, (VOCAB, EMB), dtype=jnp.float32) * (1.0 / np.sqrt(EMB))
    b = jax.random.normal(k4, (VOCAB,), dtype=jnp.float32) * 0.01
    return {"context": context, "emb_table": emb_table, "W": W, "b": b}

def reference(context, emb_table, W, b):
    # nn.Embedding lookup -> [B, WIN, EMB]
    context_embedding = jnp.take(emb_table, context, axis=0)
    # transpose(1,2) -> [B, EMB, WIN]; AvgPool1d(WIN) -> [B, EMB, 1]; squeeze -> [B, EMB]
    pooled = jnp.mean(context_embedding, axis=1)
    # Linear(EMB -> VOCAB): x @ W.T + b
    pred = pooled @ W.T + b
    return pred

if __name__ == "__main__":
    import jax
    _d = setup_inputs()
    print(jax.jit(kernel)(*tuple(_d.values())))

</pallas_src>

<mosaic_0001>
#map = affine_map<(d0, d1) -> (0, 0)>
module attributes {stable_mosaic.version = 14 : i64} {
  func.func @pooling(%arg0: i32, %arg1: i32, %arg2: memref<20x1024xi32, #tpu.memory_space<hbm>>, %arg3: memref<32x100000xf32, #tpu.memory_space<hbm>>, %arg4: memref<32x1024xf32, #tpu.memory_space<hbm>>, %arg5: memref<100000xf32, #tpu.memory_space<vmem>>, %arg6: memref<20x1024xi32, #tpu.memory_space<vmem>>, %arg7: memref<1024xf32, #tpu.memory_space<vmem>>, %arg8: memref<!tpu.dma_semaphore, #tpu.memory_space<semaphore_mem>>, %arg9: memref<!tpu.dma_semaphore, #tpu.memory_space<semaphore_mem>>) attributes {dimension_semantics = [#tpu.dimension_semantics<core_parallel>, #tpu.dimension_semantics<subcore_parallel>], iteration_bounds = array<i64: 2, 16>, scalar_prefetch = 0 : i64, scratch_operands = 5 : i64, tpu.core_type = #tpu.core_type<sc_vector_subcore>, window_params = [{transform_indices = #map}, {transform_indices = #map}, {transform_indices = #map}]} {
    %mul3A = arith.constant 2 : i32
    %mul3A_0 = arith.muli %arg1, %mul3A : i32
    %add3A = arith.addi %mul3A_0, %arg0 : i32
    %dma_start3A = arith.constant 0 : i32
    %dma_start3A_1 = tpu.memref_slice %arg3[%add3A, %dma_start3A] : memref<32x100000xf32, #tpu.memory_space<hbm>> -> memref<1x100000xf32, #tpu.memory_space<hbm>>
    %dma_start3A_2 = tpu.memref_squeeze %dma_start3A_1 : memref<1x100000xf32, #tpu.memory_space<hbm>> -> memref<100000xf32, #tpu.memory_space<hbm>>
    %dma_start3A_3 = arith.constant 0 : i32
    %dma_start3A_4 = tpu.memref_slice %arg3[%add3A, %dma_start3A_3] : memref<32x100000xf32, #tpu.memory_space<hbm>> -> memref<1x100000xf32, #tpu.memory_space<hbm>>
    %dma_start3A_5 = tpu.memref_squeeze %dma_start3A_4 : memref<1x100000xf32, #tpu.memory_space<hbm>> -> memref<100000xf32, #tpu.memory_space<hbm>>
    tpu.enqueue_dma source(%dma_start3A_5 : memref<100000xf32, #tpu.memory_space<hbm>>) target(%arg5 : memref<100000xf32, #tpu.memory_space<vmem>>) target_semaphore(%arg8 : memref<!tpu.dma_semaphore, #tpu.memory_space<semaphore_mem>>)
    tpu.enqueue_dma source(%arg2 : memref<20x1024xi32, #tpu.memory_space<hbm>>) target(%arg6 : memref<20x1024xi32, #tpu.memory_space<vmem>>) target_semaphore(%arg9 : memref<!tpu.dma_semaphore, #tpu.memory_space<semaphore_mem>>)
    %dma_wait3A = arith.constant 0 : i32
    %dma_wait3A_6 = tpu.memref_slice %arg3[%add3A, %dma_wait3A] : memref<32x100000xf32, #tpu.memory_space<hbm>> -> memref<1x100000xf32, #tpu.memory_space<hbm>>
    %dma_wait3A_7 = tpu.memref_squeeze %dma_wait3A_6 : memref<1x100000xf32, #tpu.memory_space<hbm>> -> memref<100000xf32, #tpu.memory_space<hbm>>
    %dma_wait3A_8 = arith.constant 0 : i32
    %dma_wait3A_9 = tpu.memref_slice %arg3[%add3A, %dma_wait3A_8] : memref<32x100000xf32, #tpu.memory_space<hbm>> -> memref<1x100000xf32, #tpu.memory_space<hbm>>
    %dma_wait3A_10 = tpu.memref_squeeze %dma_wait3A_9 : memref<1x100000xf32, #tpu.memory_space<hbm>> -> memref<100000xf32, #tpu.memory_space<hbm>>
    tpu.wait_dma2 semaphore(%arg8 : memref<!tpu.dma_semaphore, #tpu.memory_space<semaphore_mem>>) src(%dma_wait3A_10 : memref<100000xf32, #tpu.memory_space<hbm>>) dst(%arg5 : memref<100000xf32, #tpu.memory_space<vmem>>)
    tpu.wait_dma2 semaphore(%arg9 : memref<!tpu.dma_semaphore, #tpu.memory_space<semaphore_mem>>) src(%arg2 : memref<20x1024xi32, #tpu.memory_space<hbm>>) dst(%arg6 : memref<20x1024xi32, #tpu.memory_space<vmem>>)
    %scan3A = arith.constant 0 : i32
    %scan3A_11 = arith.constant 5.000000e-02 : f32
    %scan3A_12 = arith.constant 0 : i32
    %scan3A_13 = arith.constant 64 : i32
    %scan3A_14 = arith.addi %scan3A_12, %scan3A_13 : i32
    %scan3A_15 = arith.constant 1 : i32
    scf.for %scan3A_17 = %scan3A_12 to %scan3A_14 step %scan3A_15  : i32 {
      %mul3A_18 = arith.constant 16 : i32
      %mul3A_19 = arith.muli %scan3A_17, %mul3A_18 : i32
      %get3A = arith.constant 0 : i32
      %get3A_20 = arith.index_cast %get3A : i32 to index
      %get3A_21 = arith.index_cast %mul3A_19 : i32 to index
      %get3A_22 = tpu.vector_load %arg6[%get3A_20, %get3A_21] {strides = array<i32>} : memref<20x1024xi32, #tpu.memory_space<vmem>>, vector<16xi32>,
      %gather3A = tpu.vector_load_idx %arg5[%get3A_22] : memref<100000xf32, #tpu.memory_space<vmem>>[vector<16xi32>], vector<16xf32>,
      %get3A_23 = arith.constant 1 : i32
      %get3A_24 = arith.index_cast %get3A_23 : i32 to index
      %get3A_25 = arith.index_cast %mul3A_19 : i32 to index
      %get3A_26 = tpu.vector_load %arg6[%get3A_24, %get3A_25] {strides = array<i32>} : memref<20x1024xi32, #tpu.memory_space<vmem>>, vector<16xi32>,
      %gather3A_27 = tpu.vector_load_idx %arg5[%get3A_26] : memref<100000xf32, #tpu.memory_space<vmem>>[vector<16xi32>], vector<16xf32>,
      %add3A_28 = arith.addf %gather3A, %gather3A_27 : vector<16xf32>
      %get3A_29 = arith.constant 2 : i32
      %get3A_30 = arith.index_cast %get3A_29 : i32 to index
      %get3A_31 = arith.index_cast %mul3A_19 : i32 to index
      %get3A_32 = tpu.vector_load %arg6[%get3A_30, %get3A_31] {strides = array<i32>} : memref<20x1024xi32, #tpu.memory_space<vmem>>, vector<16xi32>,
      %gather3A_33 = tpu.vector_load_idx %arg5[%get3A_32] : memref<100000xf32, #tpu.memory_space<vmem>>[vector<16xi32>], vector<16xf32>,
      %add3A_34 = arith.addf %add3A_28, %gather3A_33 : vector<16xf32>
      %get3A_35 = arith.constant 3 : i32
      %get3A_36 = arith.index_cast %get3A_35 : i32 to index
      %get3A_37 = arith.index_cast %mul3A_19 : i32 to index
      %get3A_38 = tpu.vector_load %arg6[%get3A_36, %get3A_37] {strides = array<i32>} : memref<20x1024xi32, #tpu.memory_space<vmem>>, vector<16xi32>,
      %gather3A_39 = tpu.vector_load_idx %arg5[%get3A_38] : memref<100000xf32, #tpu.memory_space<vmem>>[vector<16xi32>], vector<16xf32>,
      %add3A_40 = arith.addf %add3A_34, %gather3A_39 : vector<16xf32>
      %get3A_41 = arith.constant 4 : i32
      %get3A_42 = arith.index_cast %get3A_41 : i32 to index
      %get3A_43 = arith.index_cast %mul3A_19 : i32 to index
      %get3A_44 = tpu.vector_load %arg6[%get3A_42, %get3A_43] {strides = array<i32>} : memref<20x1024xi32, #tpu.memory_space<vmem>>, vector<16xi32>,
      %gather3A_45 = tpu.vector_load_idx %arg5[%get3A_44] : memref<100000xf32, #tpu.memory_space<vmem>>[vector<16xi32>], vector<16xf32>,
      %add3A_46 = arith.addf %add3A_40, %gather3A_45 : vector<16xf32>
      %get3A_47 = arith.constant 5 : i32
      %get3A_48 = arith.index_cast %get3A_47 : i32 to index
      %get3A_49 = arith.index_cast %mul3A_19 : i32 to index
      %get3A_50 = tpu.vector_load %arg6[%get3A_48, %get3A_49] {strides = array<i32>} : memref<20x1024xi32, #tpu.memory_space<vmem>>, vector<16xi32>,
      %gather3A_51 = tpu.vector_load_idx %arg5[%get3A_50] : memref<100000xf32, #tpu.memory_space<vmem>>[vector<16xi32>], vector<16xf32>,
      %add3A_52 = arith.addf %add3A_46, %gather3A_51 : vector<16xf32>
      %get3A_53 = arith.constant 6 : i32
      %get3A_54 = arith.index_cast %get3A_53 : i32 to index
      %get3A_55 = arith.index_cast %mul3A_19 : i32 to index
      %get3A_56 = tpu.vector_load %arg6[%get3A_54, %get3A_55] {strides = array<i32>} : memref<20x1024xi32, #tpu.memory_space<vmem>>, vector<16xi32>,
      %gather3A_57 = tpu.vector_load_idx %arg5[%get3A_56] : memref<100000xf32, #tpu.memory_space<vmem>>[vector<16xi32>], vector<16xf32>,
      %add3A_58 = arith.addf %add3A_52, %gather3A_57 : vector<16xf32>
      %get3A_59 = arith.constant 7 : i32
      %get3A_60 = arith.index_cast %get3A_59 : i32 to index
      %get3A_61 = arith.index_cast %mul3A_19 : i32 to index
      %get3A_62 = tpu.vector_load %arg6[%get3A_60, %get3A_61] {strides = array<i32>} : memref<20x1024xi32, #tpu.memory_space<vmem>>, vector<16xi32>,
      %gather3A_63 = tpu.vector_load_idx %arg5[%get3A_62] : memref<100000xf32, #tpu.memory_space<vmem>>[vector<16xi32>], vector<16xf32>,
      %add3A_64 = arith.addf %add3A_58, %gather3A_63 : vector<16xf32>
      %get3A_65 = arith.constant 8 : i32
      %get3A_66 = arith.index_cast %get3A_65 : i32 to index
      %get3A_67 = arith.index_cast %mul3A_19 : i32 to index
      %get3A_68 = tpu.vector_load %arg6[%get3A_66, %get3A_67] {strides = array<i32>} : memref<20x1024xi32, #tpu.memory_space<vmem>>, vector<16xi32>,
      %gather3A_69 = tpu.vector_load_idx %arg5[%get3A_68] : memref<100000xf32, #tpu.memory_space<vmem>>[vector<16xi32>], vector<16xf32>,
      %add3A_70 = arith.addf %add3A_64, %gather3A_69 : vector<16xf32>
      %get3A_71 = arith.constant 9 : i32
      %get3A_72 = arith.index_cast %get3A_71 : i32 to index
      %get3A_73 = arith.index_cast %mul3A_19 : i32 to index
      %get3A_74 = tpu.vector_load %arg6[%get3A_72, %get3A_73] {strides = array<i32>} : memref<20x1024xi32, #tpu.memory_space<vmem>>, vector<16xi32>,
      %gather3A_75 = tpu.vector_load_idx %arg5[%get3A_74] : memref<100000xf32, #tpu.memory_space<vmem>>[vector<16xi32>], vector<16xf32>,
      %add3A_76 = arith.addf %add3A_70, %gather3A_75 : vector<16xf32>
      %get3A_77 = arith.constant 10 : i32
      %get3A_78 = arith.index_cast %get3A_77 : i32 to index
      %get3A_79 = arith.index_cast %mul3A_19 : i32 to index
      %get3A_80 = tpu.vector_load %arg6[%get3A_78, %get3A_79] {strides = array<i32>} : memref<20x1024xi32, #tpu.memory_space<vmem>>, vector<16xi32>,
      %gather3A_81 = tpu.vector_load_idx %arg5[%get3A_80] : memref<100000xf32, #tpu.memory_space<vmem>>[vector<16xi32>], vector<16xf32>,
      %add3A_82 = arith.addf %add3A_76, %gather3A_81 : vector<16xf32>
      %get3A_83 = arith.constant 11 : i32
      %get3A_84 = arith.index_cast %get3A_83 : i32 to index
      %get3A_85 = arith.index_cast %mul3A_19 : i32 to index
      %get3A_86 = tpu.vector_load %arg6[%get3A_84, %get3A_85] {strides = array<i32>} : memref<20x1024xi32, #tpu.memory_space<vmem>>, vector<16xi32>,
      %gather3A_87 = tpu.vector_load_idx %arg5[%get3A_86] : memref<100000xf32, #tpu.memory_space<vmem>>[vector<16xi32>], vector<16xf32>,
      %add3A_88 = arith.addf %add3A_82, %gather3A_87 : vector<16xf32>
      %get3A_89 = arith.constant 12 : i32
      %get3A_90 = arith.index_cast %get3A_89 : i32 to index
      %get3A_91 = arith.index_cast %mul3A_19 : i32 to index
      %get3A_92 = tpu.vector_load %arg6[%get3A_90, %get3A_91] {strides = array<i32>} : memref<20x1024xi32, #tpu.memory_space<vmem>>, vector<16xi32>,
      %gather3A_93 = tpu.vector_load_idx %arg5[%get3A_92] : memref<100000xf32, #tpu.memory_space<vmem>>[vector<16xi32>], vector<16xf32>,
      %add3A_94 = arith.addf %add3A_88, %gather3A_93 : vector<16xf32>
      %get3A_95 = arith.constant 13 : i32
      %get3A_96 = arith.index_cast %get3A_95 : i32 to index
      %get3A_97 = arith.index_cast %mul3A_19 : i32 to index
      %get3A_98 = tpu.vector_load %arg6[%get3A_96, %get3A_97] {strides = array<i32>} : memref<20x1024xi32, #tpu.memory_space<vmem>>, vector<16xi32>,
      %gather3A_99 = tpu.vector_load_idx %arg5[%get3A_98] : memref<100000xf32, #tpu.memory_space<vmem>>[vector<16xi32>], vector<16xf32>,
      %add3A_100 = arith.addf %add3A_94, %gather3A_99 : vector<16xf32>
      %get3A_101 = arith.constant 14 : i32
      %get3A_102 = arith.index_cast %get3A_101 : i32 to index
      %get3A_103 = arith.index_cast %mul3A_19 : i32 to index
      %get3A_104 = tpu.vector_load %arg6[%get3A_102, %get3A_103] {strides = array<i32>} : memref<20x1024xi32, #tpu.memory_space<vmem>>, vector<16xi32>,
      %gather3A_105 = tpu.vector_load_idx %arg5[%get3A_104] : memref<100000xf32, #tpu.memory_space<vmem>>[vector<16xi32>], vector<16xf32>,
      %add3A_106 = arith.addf %add3A_100, %gather3A_105 : vector<16xf32>
      %get3A_107 = arith.constant 15 : i32
      %get3A_108 = arith.index_cast %get3A_107 : i32 to index
      %get3A_109 = arith.index_cast %mul3A_19 : i32 to index
      %get3A_110 = tpu.vector_load %arg6[%get3A_108, %get3A_109] {strides = array<i32>} : memref<20x1024xi32, #tpu.memory_space<vmem>>, vector<16xi32>,
      %gather3A_111 = tpu.vector_load_idx %arg5[%get3A_110] : memref<100000xf32, #tpu.memory_space<vmem>>[vector<16xi32>], vector<16xf32>,
      %add3A_112 = arith.addf %add3A_106, %gather3A_111 : vector<16xf32>
      %get3A_113 = arith.constant 16 : i32
      %get3A_114 = arith.index_cast %get3A_113 : i32 to index
      %get3A_115 = arith.index_cast %mul3A_19 : i32 to index
      %get3A_116 = tpu.vector_load %arg6[%get3A_114, %get3A_115] {strides = array<i32>} : memref<20x1024xi32, #tpu.memory_space<vmem>>, vector<16xi32>,
      %gather3A_117 = tpu.vector_load_idx %arg5[%get3A_116] : memref<100000xf32, #tpu.memory_space<vmem>>[vector<16xi32>], vector<16xf32>,
      %add3A_118 = arith.addf %add3A_112, %gather3A_117 : vector<16xf32>
      %get3A_119 = arith.constant 17 : i32
      %get3A_120 = arith.index_cast %get3A_119 : i32 to index
      %get3A_121 = arith.index_cast %mul3A_19 : i32 to index
      %get3A_122 = tpu.vector_load %arg6[%get3A_120, %get3A_121] {strides = array<i32>} : memref<20x1024xi32, #tpu.memory_space<vmem>>, vector<16xi32>,
      %gather3A_123 = tpu.vector_load_idx %arg5[%get3A_122] : memref<100000xf32, #tpu.memory_space<vmem>>[vector<16xi32>], vector<16xf32>,
      %add3A_124 = arith.addf %add3A_118, %gather3A_123 : vector<16xf32>
      %get3A_125 = arith.constant 18 : i32
      %get3A_126 = arith.index_cast %get3A_125 : i32 to index
      %get3A_127 = arith.index_cast %mul3A_19 : i32 to index
      %get3A_128 = tpu.vector_load %arg6[%get3A_126, %get3A_127] {strides = array<i32>} : memref<20x1024xi32, #tpu.memory_space<vmem>>, vector<16xi32>,
      %gather3A_129 = tpu.vector_load_idx %arg5[%get3A_128] : memref<100000xf32, #tpu.memory_space<vmem>>[vector<16xi32>], vector<16xf32>,
      %add3A_130 = arith.addf %add3A_124, %gather3A_129 : vector<16xf32>
      %get3A_131 = arith.constant 19 : i32
      %get3A_132 = arith.index_cast %get3A_131 : i32 to index
      %get3A_133 = arith.index_cast %mul3A_19 : i32 to index
      %get3A_134 = tpu.vector_load %arg6[%get3A_132, %get3A_133] {strides = array<i32>} : memref<20x1024xi32, #tpu.memory_space<vmem>>, vector<16xi32>,
      %gather3A_135 = tpu.vector_load_idx %arg5[%get3A_134] : memref<100000xf32, #tpu.memory_space<vmem>>[vector<16xi32>], vector<16xf32>,
      %add3A_136 = arith.addf %add3A_130, %gather3A_135 : vector<16xf32>
      %mul3A_137 = vector.broadcast %scan3A_11 : f32 to vector<16xf32>
      %mul3A_138 = arith.mulf %add3A_136, %mul3A_137 : vector<16xf32>
      %swap3A = arith.index_cast %mul3A_19 : i32 to index
      %swap3A_139 = tpu.vector_load %arg7[%swap3A] {strides = array<i32>} : memref<1024xf32, #tpu.memory_space<vmem>>, vector<16xf32>,
      tpu.vector_store %arg7[%swap3A], %mul3A_138 {strides = array<i32>} : memref<1024xf32, #tpu.memory_space<vmem>>, vector<16xf32>,
    }
    %scan3A_16 = arith.constant 64 : i32
    "tpu.region"() ({
      %run_scoped3A = tpu.sem_alloc : memref<!tpu.dma_semaphore, #tpu.memory_space<semaphore_mem>>
      %dma_start3A_17 = arith.constant 0 : i32
      %dma_start3A_18 = tpu.memref_slice %arg4[%add3A, %dma_start3A_17] : memref<32x1024xf32, #tpu.memory_space<hbm>> -> memref<1x1024xf32, #tpu.memory_space<hbm>>
      %dma_start3A_19 = tpu.memref_squeeze %dma_start3A_18 : memref<1x1024xf32, #tpu.memory_space<hbm>> -> memref<1024xf32, #tpu.memory_space<hbm>>
      %dma_start3A_20 = arith.constant 0 : i32
      %dma_start3A_21 = tpu.memref_slice %arg4[%add3A, %dma_start3A_20] : memref<32x1024xf32, #tpu.memory_space<hbm>> -> memref<1x1024xf32, #tpu.memory_space<hbm>>
      %dma_start3A_22 = tpu.memref_squeeze %dma_start3A_21 : memref<1x1024xf32, #tpu.memory_space<hbm>> -> memref<1024xf32, #tpu.memory_space<hbm>>
      tpu.enqueue_dma source(%arg7 : memref<1024xf32, #tpu.memory_space<vmem>>) target(%dma_start3A_22 : memref<1024xf32, #tpu.memory_space<hbm>>) target_semaphore(%run_scoped3A : memref<!tpu.dma_semaphore, #tpu.memory_space<semaphore_mem>>)
      %dma_wait3A_23 = arith.constant 0 : i32
      %dma_wait3A_24 = tpu.memref_slice %arg4[%add3A, %dma_wait3A_23] : memref<32x1024xf32, #tpu.memory_space<hbm>> -> memref<1x1024xf32, #tpu.memory_space<hbm>>
      %dma_wait3A_25 = tpu.memref_squeeze %dma_wait3A_24 : memref<1x1024xf32, #tpu.memory_space<hbm>> -> memref<1024xf32, #tpu.memory_space<hbm>>
      %dma_wait3A_26 = arith.constant 0 : i32
      %dma_wait3A_27 = tpu.memref_slice %arg4[%add3A, %dma_wait3A_26] : memref<32x1024xf32, #tpu.memory_space<hbm>> -> memref<1x1024xf32, #tpu.memory_space<hbm>>
      %dma_wait3A_28 = tpu.memref_squeeze %dma_wait3A_27 : memref<1x1024xf32, #tpu.memory_space<hbm>> -> memref<1024xf32, #tpu.memory_space<hbm>>
      tpu.wait_dma2 semaphore(%run_scoped3A : memref<!tpu.dma_semaphore, #tpu.memory_space<semaphore_mem>>) src(%arg7 : memref<1024xf32, #tpu.memory_space<vmem>>) dst(%dma_wait3A_28 : memref<1024xf32, #tpu.memory_space<hbm>>)
      tpu.yield
    }) : () -> ()
    return
  }
}

module attributes {stable_mosaic.version = 14 : i64} {
  func.func @_proj_body(%arg0: i32, %arg1: memref<32x2048xf32, #tpu.memory_space<vmem>>, %arg2: memref<32x1024xf32, #tpu.memory_space<vmem>>, %arg3: memref<1x2048xf32, #tpu.memory_space<vmem>>, %arg4: memref<2048x1024xf32, #tpu.memory_space<vmem>>) attributes {dimension_semantics = [#tpu.dimension_semantics<arbitrary>], iteration_bounds = array<i64: 49>, scalar_prefetch = 0 : i64, scratch_operands = 0 : i64, tpu.core_type = #tpu.core_type<tc>, window_params = [{transform_indices = @transform_0, window_bounds = array<i64: 32, 2048>}, {pipeline_mode = #tpu.pipeline_mode<synchronous>, transform_indices = @transform_1, window_bounds = array<i64: 32, 1024>}, {transform_indices = @transform_2, window_bounds = array<i64: 1, 2048>}, {transform_indices = @transform_3, window_bounds = array<i64: 2048, 1024>}]} {
    %get3A = arith.constant 0 : index
    %get3A_0 = arith.constant 0 : index
    %get3A_1 = vector.load %arg1[%get3A, %get3A_0] : memref<32x2048xf32, #tpu.memory_space<vmem>>, vector<32x2048xf32>
    %get3A_2 = arith.constant 0 : index
    %get3A_3 = arith.constant 0 : index
    %get3A_4 = vector.load %arg2[%get3A_2, %get3A_3] : memref<32x1024xf32, #tpu.memory_space<vmem>>, vector<32x1024xf32>
    %dot_general3A = arith.constant dense<0.000000e+00> : vector<2048x1024xf32>
    %dot_general3A_5 = tpu.matmul %get3A_1, %get3A_4, %dot_general3A {dimension_numbers = #tpu.dot_dimension_numbers<[0], [0], [1], [1], [0, 1, 1, 1], [], []>, transpose_lhs_hint = false} : vector<32x2048xf32>, vector<32x1024xf32>, vector<2048x1024xf32> -> vector<2048x1024xf32>
    %broadcast_in_dim3A = arith.constant 1.000000e+00 : f32
    %broadcast_in_dim3A_6 = vector.broadcast %broadcast_in_dim3A : f32 to vector<1x1024xf32>
    %get3A_7 = arith.constant 0 : index
    %get3A_8 = arith.constant 0 : index
    %get3A_9 = vector.load %arg3[%get3A_7, %get3A_8] : memref<1x2048xf32, #tpu.memory_space<vmem>>, vector<1x2048xf32>
    %dot_general3A_10 = arith.constant dense<0.000000e+00> : vector<2048x1024xf32>
    %dot_general3A_11 = tpu.matmul %get3A_9, %broadcast_in_dim3A_6, %dot_general3A_10 {dimension_numbers = #tpu.dot_dimension_numbers<[0], [0], [1], [1], [0, 1, 1, 1], [], []>, transpose_lhs_hint = false} : vector<1x2048xf32>, vector<1x1024xf32>, vector<2048x1024xf32> -> vector<2048x1024xf32>
    %add3A = arith.addf %dot_general3A_5, %dot_general3A_11 : vector<2048x1024xf32>
    %swap3A = arith.constant 0 : index
    %swap3A_12 = arith.constant 0 : index
    %swap3A_13 = vector.load %arg4[%swap3A, %swap3A_12] : memref<2048x1024xf32, #tpu.memory_space<vmem>>, vector<2048x1024xf32>
    tpu.vector_store %arg4[%swap3A, %swap3A_12], %add3A {strides = array<i32>} : memref<2048x1024xf32, #tpu.memory_space<vmem>>, vector<2048x1024xf32>,
    return
  }
  func.func @transform_0(%arg0: i32) -> (i32, i32) {
    %c0_i32 = arith.constant 0 : i32
    %c0_i32_0 = arith.constant 0 : i32
    return %c0_i32, %arg0 : i32, i32
  }
  func.func @transform_1(%arg0: i32) -> (i32, i32) {
    %c0_i32 = arith.constant 0 : i32
    %c0_i32_0 = arith.constant 0 : i32
    %c0_i32_1 = arith.constant 0 : i32
    return %c0_i32, %c0_i32_0 : i32, i32
  }
  func.func @transform_2(%arg0: i32) -> (i32, i32) {
    %c0_i32 = arith.constant 0 : i32
    %c0_i32_0 = arith.constant 0 : i32
    return %c0_i32, %arg0 : i32, i32
  }
  func.func @transform_3(%arg0: i32) -> (i32, i32) {
    %c0_i32 = arith.constant 0 : i32
    %c0_i32_0 = arith.constant 0 : i32
    return %arg0, %c0_i32 : i32, i32
  }
}

</mosaic_0001>

<sc_bundles>
// kernel: kernel.4.cloned.1.call-start
scs
__scs_entry_jumppad:
0x0: {  	(pc) =	sbr.rel $0x88, $3  }
0x1: {  	(tag) =	ssettag $0x0;
	lr =	simm.s32 $0x1  }
0x2: {  	[smem:$0x3F9D] =	sst lr;
	_ =	strace $0xD0000000  }
0x3: {  	_ = 	snop  }
0x4: {  	_ = 	snop  }
0x5: {  	_ = 	snop  }
0x6: {  	_ = 	snop  }
0x7: {  	_ = 	snop  }
__scs_overlays_trampoline_lowered:
0x8: {  	[smem:$0x3FAC] =	sst s0  }
0x9: {  	[smem:$0x3FAD] =	sst s1  }
0xa: {  	[smem:$0x3FAE] =	sst s2  }
0xb: {  	[smem:$0x3FAF] =	sst s3  }
0xc: {  	[smem:$0x3FB0] =	sst s4  }
0xd: {  	[smem:$0x3FB1] =	sst s5  }
0xe: {  	[smem:$0x3FB2] =	sst s6  }
0xf: {  	[smem:$0x3FB3] =	sst s7  }
0x10: {  	[smem:$0x3FB4] =	sst s8  }
0x11: {  	[smem:$0x3FB5] =	sst s9;
	s0 =	simm.s32 @!p0 $0x0  }
0x12: {  	s1 =	sld [smem:$0x3F9B];
	s0 =	simm.s32 @p0 $0x1  }
0x13: {  	[smem:$0x3FB6] =	sst s0;
	s0 =	simm.s32 @!p1 $0x0  }
0x14: {  	s2 =	sld [smem:$0x3F9A];
	s0 =	simm.s32 @p1 $0x1  }
0x15: {  	[smem:$0x3FB7] =	sst s0;
	s0 =	simm.s32 @!p2 $0x0  }
0x16: {  	s3 =	sld [smem:$0x3FDB];
	s0 =	simm.s32 @p2 $0x1  }
0x17: {  	s4 =	simm.s32 $0x1BF5;
	[smem:$0x3FB9] =	sst s0  }
0x18: {  	s0 =	sld [smem:$0x3F9C];
	_ =	swait.ge [sflag:s4], $0x0  }
0x19: {  	s7 =	sld [smem:$0x3F9D]  }
0x1a: {  	s8 =	sadd.s32 $0xFFFFE003, lr  }
0x1b: {  	s9 =	sadd.s32 $0xFFFFFEF7, lr;
	s5 =	simm.s32 $0xFFFFFFFF;
	p2 =	slt.u32 s8, $0xFFFFF086  }
0x1c: {  	p1 =	slt.u32 s9, $0xF7A;
	s5 =	simm.s32 @!p2 $0x0  }
0x1d: {  	s5 =	simm.s32 @p1 $0x1;
	p0 =	seq.s32 s7, s2  }
0x1e: {  	s7 =	smul.u32 @!p0 $0xF7A, s2;
	p2 =	seq.s32 @!p0 s5, $0x0  }
0x1f: {  	s9 =	smul.u32 $0xF7A, s1;
	s8 =	simm.s32 @!p0 $0x1BF5;
	p2 =	por !p2, p0  }
0x20: {  	[sflag:s8] =	ssyncset.s32 @!p0 $0xFFFFF086;
	s6 =	sadd.s32 @!p0 s3, s7;
	s7 =	simm.s32 @!p0 $0x108  }
0x21: {  	s3 =	sadd.s32 s3, s9;
	s6 =	sadd.s32 @!p0 $0x88, s6;
	s7 =	simm.s32 @p2 $0x1082  }
0x22: {  	[simem:s7], [sflag:s8] =	dma.local @!p0 [hbm:s6], $0xF7A  }
0x23: {  	s9 =	sor.u32 $0xD0000000, s2;
	s6 =	simm.s32 $0x108;
	_ =	swait.ge @!p0 [sflag:s8], $0x0  }
0x24: {  	s3 =	sadd.s32 $0x88, s3;
	s6 =	simm.s32 @!p1 $0x1082;
	[sflag:s4] =	ssyncset.s32 $0xFFFFF086  }
0x25: {  	[simem:s6], [sflag:s4] =	dma.local [hbm:s3], $0xF7A  }
0x26: {  	[smem:$0x3F9D] =	sst s1;
	(tag) =	ssettag s2;
	_ =	strace s9  }
0x27: {  	s1 =	sld [smem:$0x3FAD]  }
0x28: {  	s2 =	sld [smem:$0x3FAE]  }
0x29: {  	s4 =	sld [smem:$0x3FB0]  }
0x2a: {  	p0 =	seq.s32 s5, $0x0;
	s5 =	sld [smem:$0x3FB1]  }
0x2b: {  	s6 =	sld [smem:$0x3FB2]  }
0x2c: {  	s7 =	sld [smem:$0x3FB3]  }
0x2d: {  	s3 =	simm.s32 $0x108;
	s8 =	sld [smem:$0x3FB4]  }
0x2e: {  	s3 =	simm.s32 @!p0 $0x1082;
	s9 =	sld [smem:$0x3FB5]  }
0x2f: {  	lr =	sadd.s32 s0, s3;
	s0 =	sld [smem:$0x3FAC]  }
0x30: {  	s3 =	sld [smem:$0x3FAF]  }
0x31: {  	[smem:$0x3FB8] =	sst s10  }
0x32: {  	s10 =	sld [smem:$0x3FB6];
	_ =	sdelay $0x3  }
0x33: {  	p0 =	seq.s32 s10, $0x1;
	s10 =	sld [smem:$0x3FB8];
	_ =	sdelay $0x3  }
0x34: {  	[smem:$0x3FB8] =	sst s10  }
0x35: {  	s10 =	sld [smem:$0x3FB7];
	_ =	sdelay $0x3  }
0x36: {  	p1 =	seq.s32 s10, $0x1;
	s10 =	sld [smem:$0x3FB8];
	_ =	sdelay $0x3  }
0x37: {  	[smem:$0x3FB8] =	sst s10  }
0x38: {  	s10 =	sld [smem:$0x3FB9]  }
0x39: {  	_ = 	snop;
	(pc) =	sbr.ind lr, $3  }
0x3a: {  	_ = 	snop  }
0x3b: {  	_ = 	snop  }
0x3c: {  	p2 =	seq.s32 s10, $0x1;
	s10 =	sld [smem:$0x3FB8]  }
0x3d: {  	_ =	shalt  }
0x3e: {  	_ =	shalt  }
0x3f: {  	_ =	shalt  }
0x40: {  	_ =	shalt  }
0x41: {  	_ =	shalt  }
0x42: {  	_ =	shalt  }
0x43: {  	_ =	shalt  }
0x44: {  	_ =	shalt  }
0x45: {  	_ =	shalt  }
0x46: {  	_ =	shalt  }
0x47: {  	_ =	shalt  }
0x48: {  	_ =	shalt  }
0x49: {  	_ =	shalt  }
0x4a: {  	_ =	shalt  }
0x4b: {  	_ =	shalt  }
0x4c: {  	_ =	shalt  }
0x4d: {  	_ =	shalt  }
0x4e: {  	_ =	shalt  }
0x4f: {  	_ =	shalt  }
0x50: {  	_ =	shalt  }
0x51: {  	_ =	shalt  }
0x52: {  	_ =	shalt  }
0x53: {  	_ =	shalt  }
0x54: {  	_ =	shalt  }
0x55: {  	_ =	shalt  }
0x56: {  	_ =	shalt  }
0x57: {  	_ =	shalt  }
0x58: {  	_ =	shalt  }
0x59: {  	_ =	shalt  }
0x5a: {  	_ =	shalt  }
0x5b: {  	_ =	shalt  }
0x5c: {  	_ =	shalt  }
0x5d: {  	_ =	shalt  }
0x5e: {  	_ =	shalt  }
0x5f: {  	_ =	shalt  }
0x60: {  	_ =	shalt  }
0x61: {  	_ =	shalt  }
0x62: {  	_ =	shalt  }
0x63: {  	_ =	shalt  }
0x64: {  	_ =	shalt  }
0x65: {  	_ =	shalt  }
0x66: {  	_ =	shalt  }
0x67: {  	_ =	shalt  }
0x68: {  	_ =	shalt  }
0x69: {  	_ =	shalt  }
0x6a: {  	_ =	shalt  }
0x6b: {  	_ =	shalt  }
0x6c: {  	_ =	shalt  }
0x6d: {  	_ =	shalt  }
0x6e: {  	_ =	shalt  }
0x6f: {  	_ =	shalt  }
0x70: {  	_ =	shalt  }
0x71: {  	_ =	shalt  }
0x72: {  	_ =	shalt  }
0x73: {  	_ =	shalt  }
0x74: {  	_ =	shalt  }
0x75: {  	_ =	shalt  }
0x76: {  	_ =	shalt  }
0x77: {  	_ =	shalt  }
0x78: {  	_ =	shalt  }
0x79: {  	_ =	shalt  }
0x7a: {  	_ =	shalt  }
0x7b: {  	_ =	shalt  }
0x7c: {  	_ =	shalt  }
0x7d: {  	_ =	shalt  }
0x7e: {  	_ =	shalt  }
0x7f: {  	_ =	shalt  }
0x80: {  	_ =	shalt  }
0x81: {  	_ =	shalt  }
0x82: {  	_ =	shalt  }
0x83: {  	_ =	shalt  }
0x84: {  	_ =	shalt  }
0x85: {  	_ =	shalt  }
0x86: {  	_ =	shalt  }
0x87: {  	_ =	shalt  }
.Lfunc_end0:
.L_simem_size_0:
called_computation_lowered:
.L_overlay_start_0:
0x88: {  	s2 =	sld [smem:$0x3FD9]  }
0x89: {  	s3 =	sld [smem:$0x3FFE];
	_ =	sdelay $0x1  }
0x8a: {  	s1 =	srdreg.scid  }
0x8b: {  	s0 =	sand.u32 $0x1, s1  }
0x8c: {  	s18 =	sshll.u32 s0, $0xA;
	s2 =	sadd.s32 s3, s2  }
0x8d: {  	s2 =	sadd.s32 s2, s18  }
0x8e: {  	[smem:$0x3FC4] =	sst s2  }
0x8f: {  	_ = 	snop  }
0x90: {  	s2 =	sld [smem:$0x3FC9]  }
0x91: {  	s19 =	sld [smem:$0x3FC8]  }
0x92: {  	s4 =	sld [smem:$0x3FD0];
	(tm) =	ssettm $0x1  }
0x93: {  	s5 =	sld [smem:$0x3FFB];
	_ =	sdelay $0x3  }
0x94: {  	_ =	strace s5  }
0x95: {  	s5 =	sld [smem:$0x3FFC];
	_ =	sdelay $0x3  }
0x96: {  	_ =	strace s5  }
0x97: {  	s5 =	sld [smem:$0x3FFD];
	_ =	sdelay $0x3  }
0x98: {  	_ =	strace s5  }
0x99: {  	_ =	strace $0x8FFFFFFF  }
0x9a: {  	s20 =	sld [smem:$0x3FDB];
	_ =	sdelay $0x1  }
0x9b: {  	s6 =	simm.s32 $_scs_section_size  }
0x9c: {  	s7 =	simm.s32 $_size__tile_overlayer_lowered;
	s8 =	simm.s32 $_tile_overlayer_lowered  }
0x9d: {  	s23 =	simm.s32 $0x1BFF;
	s22 =	sshll.u32 s8, $0x1;
	s5 =	sadd.s32 s6, s20  }
0x9e: {  	s9 =	simm.s32 $0x0;
	s21 =	sshll.u32 s7, $0x1;
	s7 =	sadd.s32 s22, s5  }
0x9f: {  	[timem:s9], [sflag:s23] =	dma.local [hbm:s7], s21  }
0xa0: {  	_ =	swait.ge [sflag:s23], s21  }
0xa1: {  	s6 =	ssub.s32 $0x0, s21;
	[sflag:s23] =	ssyncset.done $0x0  }
0xa2: {  	[sflag:s23] =	ssyncadd.s32 s6;
	_ =	sdelay $0x1  }
0xa3: {  	s24 =	simm.s32 $0x1B8B  }
0xa4: {  	_ =	swait.ge [sflag:s24], $0x1  }
0xa5: {  	[sflag:s24] =	ssyncset.done $0x0  }
0xa6: {  	s25 =	simm.s32 $0x1B8E;
	[sflag:s24] =	ssyncadd.s32 $0xFFFFFFFF  }
0xa7: {  	s26 =	simm.s32 $execute0_lowered;
	[smem:$0x3FD2] =	sst s25  }
0xa8: {  	s6 =	sshll.u32 s26, $0x1;
	_ =	strace $0x80000046;
	[dreg:$0x1] =	wrdreg $0xFFFFFFFF  }
0xa9: {  	s28 =	simm.s32 $_size_execute0_lowered;
	s5 =	sadd.s32 s5, s6;
	[dreg:$0x0] =	wrdreg $0x0  }
0xaa: {  	s6 =	sshll.u32 s28, $0x1;
	[dreg:$0x2] =	wrdreg s5  }
0xab: {  	[dreg:$0x3] =	wrdreg s6  }
0xac: {  	[dreg:$0x4] =	wrdreg $0xC0  }
0xad: {  	_ =	task [dreg:s9], $0x5FFFF  }
0xae: {  	[dreg:$0x1] =	wrdreg $0xFFFFFFFF  }
0xaf: {  	[dreg:$0x0] =	wrdreg $0x60  }
0xb0: {  	[dreg:$0x2] =	wrdreg s2  }
0xb1: {  	[dreg:$0x3] =	wrdreg s19  }
0xb2: {  	[dreg:$0x4] =	wrdreg s4  }
0xb3: {  	[dreg:$0x5] =	wrdreg $0x9  }
0xb4: {  	_ =	task.clear_ibuf [dreg:s9], $0x6FFFF;
	_ =	strace $0x90000046  }
0xb5: {  	s29 =	simm.s32 $0x9;
	_ =	strace $0x80000048  }
0xb6: {  	_ =	swait.ge [sflag:s29], $0x1  }
0xb7: {  	[sflag:s29] =	ssyncadd.s32 $0xFFFFFFFF  }
0xb8: {  	_ =	strace $0x90000048  }
0xb9: {  	_ =	sfence  }
0xba: {  	s30 =	sld [smem:$0x0];
	_ =	sdelay $0x2  }
0xbb: {  	s31 =	sshll.u32 s1, $0xD;
	s1 =	sshrl.u32 s1, $0x2  }
0xbc: {  	s3 =	sand.u32 $0x4000, s31;
	s1 =	sadd.s32 s1, s30  }
0xbd: {  	s0 =	sor.u32 s3, s0;
	s1 =	sshll.u32 s1, $0x11  }
0xbe: {  	s0 =	sor.u32 s1, s0  }
0xbf: {  	s0 =	sadd.s32 $0x8F2B, s0  }
0xc0: {  	[sflag:s0] =	ssyncadd.remote.s32 $0x1  }
0xc1: {  	_ =	sfence.sel $0xFFFF  }
0xc2: {  	[dreg:$0x0] =	wrdreg $0xFFFFFFFF;
	(pc) =	sbr.abs _section_cstart, $3  }
0xc3: {  	[dreg:$0x1] =	wrdreg $0xFFFFFFFF  }
0xc4: {  	_ =	task.clear_ibuf [dreg:s9], $0x2FFFF;
	_ =	strace $0x9FFFFFFF  }
0xc5: {  	(tm) =	ssettm $0x7FFFFFFF  }
tec
execute0_lowered:
.L_overlay_start_1:
0x0: {  	(tag) =	ssettag $0x1  }
0x1: {  	s1 =	rddreg [dreg:$0x0]  }
0x2: {  	s4 =	rddreg [dreg:$0x1]  }
0x3: {  	s5 =	rddreg [dreg:$0x2]  }
0x4: {  	s0 =	rddreg [dreg:$0x3];
	s3 =	simm.s32 $0x0  }
0x5: {  	s6 =	srdreg.scid;
	s2 =	stileid.u32;
	s11 =	simm.s32 $0x2  }
0x6: {  	s12 =	simm.s32 $0x1E700;
	s13 =	simm.s32 $0x3;
	s14 =	simm.s32 $0x0  }
0x7: {  	[smem:$0x7FF] =	sst s3;
	s6 =	sand.u32 $0x1, s6;
	s8 =	sshll.u32 s2, $0x8  }
0x8: {  	s7 =	sshrl.u32 s2, $0x2;
	s9 =	sshll.u32 s6, $0x7;
	s8 =	sand.u32 $0x300, s8  }
0x9: {  	s10 =	smul.u32 $0xC3800, s7;
	_ =	strace $0x80000047;
	s6 =	ssub.s32 $0x2, s6  }
0xa: {  	s7 =	sshll.u32 s7, $0xD;
	s8 =	sor.u32 s9, s8;
	s31 =	sshrl.u32 s6, $0x1  }
0xb: {  	s9 =	sor.u32 s10, s8;
	s7 =	sor.u32 s7, s8;
	s6 =	ssub.s32 s6, s31  }
0xc: {  	s8 =	simm.s32 $0x400;
	s10 =	simm.s32 $0x1;
	s9 =	sshrl.u32 s9, $0x3  }
0xd: {  	s7 =	sshrl.u32 s7, $0x3;
	s6 =	smax.u32 s6, $0x1;
	s4 =	sadd.s32 s4, s9  }
0xe: {  	s5 =	sadd.s32 s5, s7;
	s7 =	simm.s32 $0x80;
	s9 =	simm.s32 $0x18700  }
.LBB2_1:
0xf: {  	[tilespmem:s3], [sflag:$0x1] =	stream.strided.gather [hbm4b:s4+s7], $0x18700, s8, s7, $0x38;
	[tilespmem:$0x1EB00] =	vst v63  }
0x10: {  	_ = 	snop  }
0x11: {  	[tilespmem:s9], [sflag:$0x2] =	stream.linear.gather [hbm4b:s1+s3], $0x6000, $0x38;
	[tilespmem:$0x1EB00] =	vst v63  }
0x12: {  	_ =	swait.ge [sflag:s10], $0x18700  }
0x13: {  	[sflag:s10] =	ssyncset.done $0x0  }
0x14: {  	[sflag:s10] =	ssyncadd.s32 $0xFFFE7900  }
0x15: {  	_ =	swait.ge [sflag:s11], $0x6000  }
0x16: {  	s15 =	sand.u32 $0x70, s3;
	s16 =	sand.u32 $0x1C00, s3;
	[sflag:s11] =	ssyncset.done $0x0  }
0x17: {  	s15 =	sor.u32 s15, s16;
	[sflag:s11] =	ssyncadd.s32 $0xFFFFA000  }
0x18: {  	s16 =	sadd.s32 $0x18700, s15;
	v0 =	vld [tilespmem:s15+$0x18700]  }
0x19: {  	v1 =	vld [tilespmem:s16+$0x80];
	_ =	sdelay $0x1  }
0x1a: {  	v2 =	vld [tilespmem:s16+$0x100];
	_ =	sdelay $0x1  }
0x1b: {  	v3 =	vld [tilespmem:s16+$0x180]  }
0x1c: {  	v4 =	vld [tilespmem:s16+$0x280]  }
0x1d: {  	v5 =	vld [tilespmem:s16+$0x200]  }
0x1e: {  	v0 =	vld.idx.msk [tilespmem:v0+s3+$0x0], $0xffff  }
0x1f: {  	v1 =	vld.idx.msk [tilespmem:v1+s3+$0x0], $0xffff  }
0x20: {  	v6 =	vld [tilespmem:s16+$0x300]  }
0x21: {  	v2 =	vld.idx.msk [tilespmem:v2+s3+$0x0], $0xffff  }
0x22: {  	v7 =	vld [tilespmem:s16+$0x380]  }
0x23: {  	v3 =	vld.idx.msk [tilespmem:v3+s3+$0x0], $0xffff  }
0x24: {  	v8 =	vld [tilespmem:s15+$0x1A700];
	v0 =	vadd.f32 v1, v0  }
0x25: {  	v1 =	vld.idx.msk [tilespmem:v5+s3+$0x0], $0xffff  }
0x26: {  	v53 =	vld [tilespmem:s15+$0x1A780];
	v0 =	vadd.f32 v2, v0  }
0x27: {  	v2 =	vld.idx.msk [tilespmem:v4+s3+$0x0], $0xffff  }
0x28: {  	v54 =	vld [tilespmem:s15+$0x1A800];
	v0 =	vadd.f32 v3, v0  }
0x29: {  	v3 =	vld.idx.msk [tilespmem:v6+s3+$0x0], $0xffff  }
0x2a: {  	v55 =	vld [tilespmem:s15+$0x1A880];
	v0 =	vadd.f32 v1, v0  }
0x2b: {  	v1 =	vld.idx.msk [tilespmem:v7+s3+$0x0], $0xffff  }
0x2c: {  	v56 =	vld [tilespmem:s15+$0x1A900];
	v0 =	vadd.f32 v2, v0  }
0x2d: {  	v2 =	vld.idx.msk [tilespmem:v8+s3+$0x0], $0xffff  }
0x2e: {  	v57 =	vld [tilespmem:s15+$0x1A980];
	v0 =	vadd.f32 v3, v0  }
0x2f: {  	v3 =	vld.idx.msk [tilespmem:v53+s3+$0x0], $0xffff  }
0x30: {  	v58 =	vld [tilespmem:s15+$0x1AA00];
	v0 =	vadd.f32 v1, v0  }
0x31: {  	v1 =	vld.idx.msk [tilespmem:v54+s3+$0x0], $0xffff  }
0x32: {  	v59 =	vld [tilespmem:s15+$0x1AA80];
	v0 =	vadd.f32 v2, v0  }
0x33: {  	v2 =	vld.idx.msk [tilespmem:v55+s3+$0x0], $0xffff  }
0x34: {  	v60 =	vld [tilespmem:s15+$0x1C700];
	v0 =	vadd.f32 v3, v0  }
0x35: {  	v3 =	vld.idx.msk [tilespmem:v56+s3+$0x0], $0xffff  }
0x36: {  	v61 =	vld [tilespmem:s15+$0x1C780];
	v0 =	vadd.f32 v1, v0  }
0x37: {  	v1 =	vld.idx.msk [tilespmem:v57+s3+$0x0], $0xffff  }
0x38: {  	v62 =	vld [tilespmem:s15+$0x1C800];
	v0 =	vadd.f32 v2, v0  }
0x39: {  	v2 =	vld.idx.msk [tilespmem:v58+s3+$0x0], $0xffff  }
0x3a: {  	v63 =	vld [tilespmem:s15+$0x1C880];
	v0 =	vadd.f32 v3, v0  }
0x3b: {  	v3 =	vld.idx.msk [tilespmem:v59+s3+$0x0], $0xffff  }
0x3c: {  	v0 =	vadd.f32 v1, v0  }
0x3d: {  	v1 =	vld.idx.msk [tilespmem:v60+s3+$0x0], $0xffff  }
0x3e: {  	v0 =	vadd.f32 v2, v0  }
0x3f: {  	v2 =	vld.idx.msk [tilespmem:v61+s3+$0x0], $0xffff  }
0x40: {  	v0 =	vadd.f32 v3, v0  }
0x41: {  	v3 =	vld.idx.msk [tilespmem:v62+s3+$0x0], $0xffff  }
0x42: {  	v0 =	vadd.f32 v1, v0  }
0x43: {  	v1 =	vld.idx.msk [tilespmem:v63+s3+$0x0], $0xffff  }
0x44: {  	v0 =	vadd.f32 v2, v0;
	_ =	sdelay $0x1  }
0x45: {  	v0 =	vadd.f32 v3, v0;
	_ =	sdelay $0x1  }
0x46: {  	v0 =	vadd.f32 v1, v0;
	_ =	sdelay $0x1  }
0x47: {  	s31 =	simm.s32 $0x10;
	s17 =	simm.s32 $0x20;
	s16 =	simm.s32 $0x80;
	v0 =	vmul.f32 $5.000000070e-02, v0  }
0x48: {  	s18 =	sand.u32 $0x70, s31;
	s15 =	simm.s32 $0x1E700;
	s19 =	sand.u32 $0x1C00, s16  }
.LBB2_2:
0x49: {  	p0 =	sne.s32 s17, $0x3F0;
	s18 =	sor.u32 s18, s19;
	[tilespmem:s15+$0x0] =	vst v0  }
0x4a: {  	s19 =	sadd.s32 $0x18700, s18;
	v0 =	vld [tilespmem:s18+$0x18700]  }
0x4b: {  	v1 =	vld [tilespmem:s19+$0x80];
	_ =	sdelay $0x1  }
0x4c: {  	v2 =	vld [tilespmem:s19+$0x100];
	_ =	sdelay $0x1  }
0x4d: {  	v3 =	vld [tilespmem:s19+$0x180]  }
0x4e: {  	v4 =	vld [tilespmem:s19+$0x280]  }
0x4f: {  	v5 =	vld [tilespmem:s19+$0x200]  }
0x50: {  	v0 =	vld.idx.msk [tilespmem:v0+s3+$0x0], $0xffff  }
0x51: {  	v1 =	vld.idx.msk [tilespmem:v1+s3+$0x0], $0xffff  }
0x52: {  	v6 =	vld [tilespmem:s19+$0x300]  }
0x53: {  	v2 =	vld.idx.msk [tilespmem:v2+s3+$0x0], $0xffff  }
0x54: {  	v7 =	vld [tilespmem:s19+$0x380]  }
0x55: {  	v3 =	vld.idx.msk [tilespmem:v3+s3+$0x0], $0xffff  }
0x56: {  	v8 =	vld [tilespmem:s18+$0x1A700]  }
0x57: {  	v0 =	vadd.f32 v1, v0;
	v1 =	vld.idx.msk [tilespmem:v5+s3+$0x0], $0xffff  }
0x58: {  	v5 =	vld [tilespmem:s18+$0x1A780]  }
0x59: {  	v0 =	vadd.f32 v2, v0;
	v2 =	vld.idx.msk [tilespmem:v4+s3+$0x0], $0xffff  }
0x5a: {  	v4 =	vld [tilespmem:s18+$0x1A800]  }
0x5b: {  	v0 =	vadd.f32 v3, v0;
	v3 =	vld.idx.msk [tilespmem:v6+s3+$0x0], $0xffff  }
0x5c: {  	v6 =	vld [tilespmem:s18+$0x1A880]  }
0x5d: {  	v0 =	vadd.f32 v1, v0;
	v1 =	vld.idx.msk [tilespmem:v7+s3+$0x0], $0xffff  }
0x5e: {  	v7 =	vld [tilespmem:s18+$0x1A900]  }
0x5f: {  	v0 =	vadd.f32 v2, v0;
	v2 =	vld.idx.msk [tilespmem:v8+s3+$0x0], $0xffff  }
0x60: {  	v8 =	vld [tilespmem:s18+$0x1A980]  }
0x61: {  	v0 =	vadd.f32 v3, v0;
	v3 =	vld.idx.msk [tilespmem:v5+s3+$0x0], $0xffff  }
0x62: {  	v5 =	vld [tilespmem:s18+$0x1AA00]  }
0x63: {  	v0 =	vadd.f32 v1, v0;
	v1 =	vld.idx.msk [tilespmem:v4+s3+$0x0], $0xffff  }
0x64: {  	v4 =	vld [tilespmem:s18+$0x1AA80]  }
0x65: {  	v0 =	vadd.f32 v2, v0;
	v2 =	vld.idx.msk [tilespmem:v6+s3+$0x0], $0xffff  }
0x66: {  	v6 =	vld [tilespmem:s18+$0x1C700]  }
0x67: {  	v0 =	vadd.f32 v3, v0;
	v3 =	vld.idx.msk [tilespmem:v7+s3+$0x0], $0xffff  }
0x68: {  	v7 =	vld [tilespmem:s18+$0x1C780]  }
0x69: {  	v0 =	vadd.f32 v1, v0;
	v1 =	vld.idx.msk [tilespmem:v8+s3+$0x0], $0xffff  }
0x6a: {  	v8 =	vld [tilespmem:s18+$0x1C800]  }
0x6b: {  	v0 =	vadd.f32 v2, v0;
	v2 =	vld.idx.msk [tilespmem:v5+s3+$0x0], $0xffff  }
0x6c: {  	v5 =	vld [tilespmem:s18+$0x1C880]  }
0x6d: {  	v0 =	vadd.f32 v3, v0;
	v3 =	vld.idx.msk [tilespmem:v4+s3+$0x0], $0xffff;
	_ =	sdelay $0x1  }
0x6e: {  	v0 =	vadd.f32 v1, v0;
	v1 =	vld.idx.msk [tilespmem:v6+s3+$0x0], $0xffff;
	_ =	sdelay $0x1  }
0x6f: {  	v0 =	vadd.f32 v2, v0;
	v2 =	vld.idx.msk [tilespmem:v7+s3+$0x0], $0xffff;
	_ =	sdelay $0x1  }
0x70: {  	v0 =	vadd.f32 v3, v0;
	v3 =	vld.idx.msk [tilespmem:v8+s3+$0x0], $0xffff;
	_ =	sdelay $0x1  }
0x71: {  	v0 =	vadd.f32 v1, v0;
	v1 =	vld.idx.msk [tilespmem:v5+s3+$0x0], $0xffff;
	_ =	sdelay $0x1  }
0x72: {  	v0 =	vadd.f32 v2, v0;
	_ =	sdelay $0x1  }
0x73: {  	v0 =	vadd.f32 v3, v0  }
.Ltmp0:
0x74: {  	(pc) =	sbr.rel @p0 .LBB2_2-.Ltmp0, $3  }
0x75: {  	v0 =	vadd.f32 v1, v0;
	_ =	sdelay $0x1  }
0x76: {  	s16 =	sadd.s32 $0x80, s16;
	s15 =	sadd.s32 $0x10, s15;
	v0 =	vmul.f32 $5.000000070e-02, v0  }
0x77: {  	s19 =	sand.u32 $0x1C00, s16;
	s18 =	sand.u32 $0x70, s17;
	s17 =	sadd.s32 $0x10, s17  }
0x78: {  	s16 =	sor.u32 s18, s19;
	[tilespmem:s15+$0x0] =	vst v0  }
0x79: {  	s17 =	sadd.s32 $0x18700, s16;
	v0 =	vld [tilespmem:s16+$0x18700]  }
0x7a: {  	v1 =	vld [tilespmem:s17+$0x80];
	_ =	sdelay $0x1  }
0x7b: {  	v2 =	vld [tilespmem:s17+$0x100];
	_ =	sdelay $0x1  }
0x7c: {  	v3 =	vld [tilespmem:s17+$0x180]  }
0x7d: {  	v4 =	vld [tilespmem:s17+$0x280]  }
0x7e: {  	v5 =	vld [tilespmem:s17+$0x200]  }
0x7f: {  	v0 =	vld.idx.msk [tilespmem:v0+s3+$0x0], $0xffff  }
0x80: {  	v1 =	vld.idx.msk [tilespmem:v1+s3+$0x0], $0xffff  }
0x81: {  	v6 =	vld [tilespmem:s17+$0x300]  }
0x82: {  	v2 =	vld.idx.msk [tilespmem:v2+s3+$0x0], $0xffff  }
0x83: {  	v7 =	vld [tilespmem:s17+$0x380]  }
0x84: {  	v3 =	vld.idx.msk [tilespmem:v3+s3+$0x0], $0xffff  }
0x85: {  	v8 =	vld [tilespmem:s16+$0x1A700];
	v0 =	vadd.f32 v1, v0  }
0x86: {  	v37 =	vld.idx.msk [tilespmem:v5+s3+$0x0], $0xffff  }
0x87: {  	v38 =	vld [tilespmem:s16+$0x1A780];
	v0 =	vadd.f32 v2, v0  }
0x88: {  	v39 =	vld.idx.msk [tilespmem:v4+s3+$0x0], $0xffff  }
0x89: {  	v40 =	vld [tilespmem:s16+$0x1A800];
	v0 =	vadd.f32 v3, v0  }
0x8a: {  	v41 =	vld.idx.msk [tilespmem:v6+s3+$0x0], $0xffff  }
0x8b: {  	v42 =	vld [tilespmem:s16+$0x1A880];
	v0 =	vadd.f32 v37, v0  }
0x8c: {  	v43 =	vld.idx.msk [tilespmem:v7+s3+$0x0], $0xffff  }
0x8d: {  	v44 =	vld [tilespmem:s16+$0x1A900];
	v0 =	vadd.f32 v39, v0  }
0x8e: {  	v45 =	vld.idx.msk [tilespmem:v8+s3+$0x0], $0xffff  }
0x8f: {  	v46 =	vld [tilespmem:s16+$0x1A980];
	v0 =	vadd.f32 v41, v0  }
0x90: {  	v47 =	vld.idx.msk [tilespmem:v38+s3+$0x0], $0xffff  }
0x91: {  	v48 =	vld [tilespmem:s16+$0x1AA00];
	v0 =	vadd.f32 v43, v0  }
0x92: {  	v49 =	vld.idx.msk [tilespmem:v40+s3+$0x0], $0xffff  }
0x93: {  	v50 =	vld [tilespmem:s16+$0x1AA80];
	v0 =	vadd.f32 v45, v0  }
0x94: {  	v51 =	vld.idx.msk [tilespmem:v42+s3+$0x0], $0xffff  }
0x95: {  	v52 =	vld [tilespmem:s16+$0x1C700];
	v0 =	vadd.f32 v47, v0  }
0x96: {  	v53 =	vld.idx.msk [tilespmem:v44+s3+$0x0], $0xffff  }
0x97: {  	v54 =	vld [tilespmem:s16+$0x1C780];
	v0 =	vadd.f32 v49, v0  }
0x98: {  	v55 =	vld.idx.msk [tilespmem:v46+s3+$0x0], $0xffff  }
0x99: {  	v56 =	vld [tilespmem:s16+$0x1C800];
	v0 =	vadd.f32 v51, v0  }
0x9a: {  	v57 =	vld.idx.msk [tilespmem:v48+s3+$0x0], $0xffff  }
0x9b: {  	v58 =	vld [tilespmem:s16+$0x1C880];
	v0 =	vadd.f32 v53, v0  }
0x9c: {  	v59 =	vld.idx.msk [tilespmem:v50+s3+$0x0], $0xffff  }
0x9d: {  	v0 =	vadd.f32 v55, v0  }
0x9e: {  	v60 =	vld.idx.msk [tilespmem:v52+s3+$0x0], $0xffff  }
0x9f: {  	v0 =	vadd.f32 v57, v0  }
0xa0: {  	v61 =	vld.idx.msk [tilespmem:v54+s3+$0x0], $0xffff  }
0xa1: {  	v0 =	vadd.f32 v59, v0  }
0xa2: {  	v62 =	vld.idx.msk [tilespmem:v56+s3+$0x0], $0xffff  }
0xa3: {  	v0 =	vadd.f32 v60, v0  }
0xa4: {  	v63 =	vld.idx.msk [tilespmem:v58+s3+$0x0], $0xffff  }
0xa5: {  	v0 =	vadd.f32 v61, v0;
	_ =	sdelay $0x1  }
0xa6: {  	v0 =	vadd.f32 v62, v0;
	_ =	sdelay $0x1  }
0xa7: {  	v0 =	vadd.f32 v63, v0;
	_ =	sdelay $0x1  }
0xa8: {  	s14 =	sadd.s32 $0x1, s14;
	v0 =	vmul.f32 $5.000000070e-02, v0  }
0xa9: {  	s31 =	sadd.s32 $0x10, s15;
	p0 =	sne.s32 s14, s6  }
.Ltmp1:
0xaa: {  	[tilespmem:s31+$0x0] =	vst v0;
	(pc) =	sbr.rel @p0 .LBB2_1-.Ltmp1, $4  }
0xab: {  	[hbm4b:s5+s7] =	stream.strided.scatter [tilespmem:s12], [sflag:$0x3], $0x400, s8, s7, $0x38;
	[tilespmem:$0x1EB00] =	vst v63  }
0xac: {  	_ =	swait.ge [sflag:s13], $0x400  }
0xad: {  	[sflag:s13] =	ssyncset.done $0x0  }
0xae: {  	[sflag:s13] =	ssyncadd.s32 $0xFFFFFC00  }
0xaf: {  	_ =	sfence.sel $0x180000  }
0xb0: {  	[bflag:$0x0] =	sbarrier.arrive $0xFFFF  }
0xb1: {  	p0 =	sne.s32 s2, $0x0;
	_ =	strace $0x90000047  }
0xb2: {  	s0 =	sadd.s32 @!p0 $0x100000, s0;
	[bflag:$0x2] =	sbarrier.arrive $0xFFFF  }
0xb3: {  	[sflag:s0] =	ssyncadd.tile.s32 @!p0 $0x1;
	_ =	shalt  }
.Lfunc_end2:
_tile_overlayer_lowered:
.L_overlay_start_2:
0xb4: {  	(tag) =	ssettag $0x2  }
0xb5: {  	s0 =	rddreg [dreg:$0x0];
	s2 =	stileid.u32  }
0xb6: {  	s1 =	rddreg [dreg:$0x1];
	p0 =	sne.s32 s2, $0x0  }
0xb7: {  	s3 =	rddreg [dreg:$0x2];
	[bflag:$0x3] =	sbarrier.arrive $0xFFFF;
	s2 =	simm.s32 @!p0 $0x1C03  }
0xb8: {  	[timem:s3], [sflag:s2] =	dma.local @!p0 [hbm:s0], s1  }
0xb9: {  	s0 =	simm.s32 @!p0 $0x3  }
0xba: {  	_ =	swait.ge @!p0 [sflag:s0], s1  }
0xbb: {  	s1 =	ssub.s32 @!p0 $0x0, s1;
	[sflag:s0] =	ssyncset.done @!p0 $0x0  }
0xbc: {  	[sflag:s0] =	ssyncadd.s32 @!p0 s1  }
0xbd: {  	[bflag:$0x3] =	sbarrier.arrive $0xFFFF  }
0xbe: {  	_ =	shalt  }

</sc_bundles>
